<compile_context>
chip_gen: v7x
topology: tpu7x:2x2x1
jax: 0.10.2.dev20260603
libtpu: 0.0.44.dev20260713+nightly
codegen_flags: <defaults>
</compile_context>

<pallas_src>
from itertools import combinations

import numpy as np
import jax
import jax.numpy as jnp
from jax import lax
from jax.experimental import pallas as pl
from jax.experimental.pallas import tpu as pltpu
from jax.experimental.pallas import tpu_sc as plsc

_B = 4096
_F = 26
_K = 16
_D0 = _F * _K
_BN_EPS = 1e-3
_FM_SCALE = 0.5 / float(np.sqrt(1.0 + _BN_EPS))

_NC = 2
_NS = 16
_NW = _NC * _NS
_SAMP_PER_W = _B // _NW
_NROW = _F
_IDX_PER_W = _SAMP_PER_W * _F
_XW_ROWS = 62500

_pairs = list(combinations(range(_F), 2))
_NPAIRS = len(_pairs)
_ONEHOT_SYM = np.zeros((_NPAIRS, _F * _F), dtype=np.float32)
for _p, (_c, _r) in enumerate(_pairs):
    _ONEHOT_SYM[_p, _r * _F + _c] = _FM_SCALE
    _ONEHOT_SYM[_p, _c * _F + _r] = _FM_SCALE
_EYE_K = np.eye(_K, dtype=np.float32)



def _sc_gather_body(idx_in, idx16_in, xv_hbm, xw2_hbm, xv_out, l_out,
                    idx_v, idx16_v, rows_v, l_v, sem_v, sem_w):
    wid = lax.axis_index("s") * _NC + lax.axis_index("c")
    pltpu.sync_copy(idx_in.at[wid], idx_v)
    pltpu.sync_copy(idx16_in.at[wid], idx16_v)

    @pl.loop(0, _NROW)
    def _gatherw(j):
        sl = pl.ds(j * 128, 128)
        pltpu.async_copy(xw2_hbm.at[idx16_v.at[sl]], rows_v.at[sl], sem_w)

    pltpu.make_async_copy(xw2_hbm.at[pl.ds(0, _IDX_PER_W)], rows_v, sem_w).wait()

    lanes16 = lax.iota(jnp.int32, 16)

    @pl.loop(0, _SAMP_PER_W // 16)
    def _linear(g):
        base = g * (16 * _F)

        def body(f, acc):
            pos16 = base + lanes16 * _F + f
            orig16 = plsc.load_gather(idx_v, [pos16])
            lane16 = lax.bitwise_and(orig16, 15)
            val16 = plsc.load_gather(rows_v, [pos16, lane16])
            return acc + val16

        acc = pl.loop(0, _F, init_carry=jnp.zeros((16,), jnp.float32))(body)
        l_v[pl.ds(g * 16, 16)] = acc

    @pl.loop(0, _NROW)
    def _gatherv(j):
        sl = pl.ds(j * 128, 128)
        pltpu.async_copy(xv_hbm.at[idx_v.at[sl]], rows_v.at[sl], sem_v)

    pltpu.make_async_copy(xv_hbm.at[pl.ds(0, _IDX_PER_W)], rows_v, sem_v).wait()

    pltpu.sync_copy(rows_v, xv_out.at[wid])
    pltpu.sync_copy(l_v, l_out.at[wid])


def _sc_gather(idx2d, idx16_2d, xv_table, xw2_table):
    mesh = plsc.VectorSubcoreMesh(core_axis_name="c", subcore_axis_name="s")
    fn = pl.kernel(
        _sc_gather_body,
        out_type=[
            jax.ShapeDtypeStruct((_NW, _IDX_PER_W, _K), jnp.float32),
            jax.ShapeDtypeStruct((_NW, _SAMP_PER_W), jnp.float32),
        ],
        mesh=mesh,
        scratch_types=[
            pltpu.VMEM((_IDX_PER_W,), jnp.int32),
            pltpu.VMEM((_IDX_PER_W,), jnp.int32),
            pltpu.VMEM((_IDX_PER_W, _K), jnp.float32),
            pltpu.VMEM((_SAMP_PER_W,), jnp.float32),
            pltpu.SemaphoreType.DMA,
            pltpu.SemaphoreType.DMA,
        ],
        compiler_params=pltpu.CompilerParams(
            use_tc_tiling_on_sc=False, needs_layout_passes=False),
    )
    return fn(idx2d, idx16_2d, xv_table, xw2_table)



_BLK = 512


def _tc_body(xv_ref, l_ref, w0_ref, b0_ref, w1_ref, b1_ref, w2_ref, b2_ref,
             m_ref, logit_ref, sig_ref):
    x = xv_ref[...]
    h = jnp.dot(x, w0_ref[...], preferred_element_type=jnp.float32)
    h = jnp.maximum(h + b0_ref[...], 0.0)
    h = jnp.dot(h, w1_ref[...], preferred_element_type=jnp.float32)
    h = jnp.maximum(h + b1_ref[...], 0.0)
    hv = jnp.dot(h, w2_ref[...], preferred_element_type=jnp.float32)
    y = jnp.dot(x, m_ref[...], preferred_element_type=jnp.float32)
    fm = jnp.sum(x * y, axis=1, keepdims=True)
    logit = l_ref[...] + fm + hv + b2_ref[...]
    logit_ref[...] = logit
    sig_ref[...] = jax.nn.sigmoid(logit)


def _tc_dense(xv_flat, l2d, W0, b0, W1, b1, W2, b2, M):
    nblk = _B // _BLK
    full = lambda s: pl.BlockSpec(s, lambda i: (0, 0))
    return pl.pallas_call(
        _tc_body,
        grid=(nblk,),
        in_specs=[
            pl.BlockSpec((_BLK, _D0), lambda i: (i, 0)),
            pl.BlockSpec((_BLK, 1), lambda i: (i, 0)),
            full(W0.shape), full((1, b0.shape[1])),
            full(W1.shape), full((1, b1.shape[1])),
            full(W2.shape), full((1, 1)),
            full(M.shape),
        ],
        out_specs=[
            pl.BlockSpec((_BLK, 1), lambda i: (i, 0)),
            pl.BlockSpec((_BLK, 1), lambda i: (i, 0)),
        ],
        out_shape=[
            jax.ShapeDtypeStruct((_B, 1), jnp.float32),
            jax.ShapeDtypeStruct((_B, 1), jnp.float32),
        ],
        compiler_params=pltpu.CompilerParams(
            dimension_semantics=("arbitrary",),
        ),
    )(xv_flat, l2d, W0, b0, W1, b1, W2, b2, M)


def kernel(inputs, xw_table, xv_table, W0, b0, W1, b1, W2, b2, edge_weights):
    idx = inputs.astype(jnp.int32)
    idx2d = idx.reshape(_NW, _IDX_PER_W)
    idx16_2d = lax.shift_right_logical(idx2d, 4)
    xw2_table = xw_table.reshape(_XW_ROWS, _K)

    xv_g, l_g = _sc_gather(idx2d, idx16_2d, xv_table, xw2_table)
    xv_flat = xv_g.reshape(_B, _D0)
    l2d = l_g.reshape(_B, 1)

    S = (edge_weights @ _ONEHOT_SYM).reshape(_F, _F)
    M = (S[:, None, :, None] * _EYE_K[None, :, None, :]).reshape(_D0, _D0)

    logit2, sig2 = _tc_dense(
        xv_flat, l2d, W0, b0.reshape(1, -1), W1, b1.reshape(1, -1),
        W2, b2.reshape(1, 1), M)
    return logit2.reshape(_B), sig2.reshape(_B)

# --- scband reference (transcript-rebuilt; emitter-appended) ---
"""Pipeline reference for scband-auto-deep-fm-21835613733415 (READ-ONLY COPY).

The authoritative reference and input builder live on the scoring server;
editing this copy changes nothing except your own understanding.
"""

import jax, jax.numpy as jnp
import numpy as np
from itertools import combinations

B = 4096
F = 26
VOCAB = 1000000
K = 16
D0 = F * K
H1 = 400
H2 = 400
BN_EPS = 1e-3

pairs = list(combinations(range(F), 2))
COLS = np.array([p[0] for p in pairs], dtype=np.int32)
ROWS = np.array([p[1] for p in pairs], dtype=np.int32)
NPAIRS = len(pairs)


def _xavier(key, fan_in, fan_out):
    limit = np.sqrt(6.0 / (fan_in + fan_out))
    return jax.random.uniform(key, (fan_in, fan_out), minval=-limit, maxval=limit, dtype=jnp.float32)


def setup_inputs(seed: int = 0) -> dict:
    key = jax.random.key(seed)
    ks = jax.random.split(key, 12)
    inputs = jax.random.randint(ks[0], (B, F), 0, VOCAB, dtype=jnp.int64)
    xw_table = jax.random.normal(ks[1], (VOCAB, 1), dtype=jnp.float32) * 0.01
    xv_table = jax.random.normal(ks[2], (VOCAB, K), dtype=jnp.float32) * 0.01
    W0 = _xavier(ks[3], D0, H1)
    b0 = jnp.zeros((H1,), dtype=jnp.float32)
    W1 = _xavier(ks[4], H1, H2)
    b1 = jnp.zeros((H2,), dtype=jnp.float32)
    W2 = _xavier(ks[5], H2, 1)
    b2 = jnp.zeros((1,), dtype=jnp.float32)
    edge_weights = jax.random.uniform(ks[6], (NPAIRS,), minval=0.6 - 0.001, maxval=0.6 + 0.001, dtype=jnp.float32)
    return {
        "inputs": inputs,
        "xw_table": xw_table,
        "xv_table": xv_table,
        "W0": W0, "b0": b0,
        "W1": W1, "b1": b1,
        "W2": W2, "b2": b2,
        "edge_weights": edge_weights,
    }


def reference(inputs, xw_table, xv_table, W0, b0, W1, b1, W2, b2, edge_weights):
    # embedding lookups (the memory-bound core of AutoDeepFM)
    xw = jnp.take(xw_table, inputs, axis=0)  # [B, F, 1]
    xv = jnp.take(xv_table, inputs, axis=0)  # [B, F, K]

    # deep part: bin_mlp over flattened embeddings
    h = xv.reshape(-1, F * K)
    h = jax.nn.relu(h @ W0 + b0)
    h = jax.nn.relu(h @ W1 + b1)
    h = h @ W2 + b2
    h = jnp.squeeze(h, axis=-1)  # [B]

    # linear part: l = reduce_sum(xw)
    l = jnp.sum(jnp.squeeze(xw, axis=-1), axis=1)  # [B]

    # second-order FM interactions over selected field pairs
    left = xv[:, ROWS, :]   # [B, NPAIRS, K]
    right = xv[:, COLS, :]  # [B, NPAIRS, K]
    level_2_matrix = jnp.sum(left * right, axis=-1)  # [B, NPAIRS]

    # batch norm (inference: moving_mean=0, moving_var=1, scale/center off)
    level_2_matrix = level_2_matrix / jnp.sqrt(1.0 + BN_EPS)

    # edge-weight mask
    level_2_matrix = level_2_matrix * edge_weights[None, :]
    fm_out = jnp.sum(level_2_matrix, axis=-1)  # [B]

    logits = l + fm_out + h
    outputs = jax.nn.sigmoid(logits)
    return logits, outputs

if __name__ == "__main__":
    import jax
    _d = setup_inputs()
    print(jax.jit(kernel)(*tuple(_d.values())))

</pallas_src>

<mosaic_0001>
#map = affine_map<(d0, d1) -> (0, 0)>
#map1 = affine_map<(d0, d1) -> (0, 0, 0)>
module attributes {stable_mosaic.version = 14 : i64} {
  func.func @_sc_gather_body(%arg0: i32, %arg1: i32, %arg2: memref<32x3328xi32, #tpu.memory_space<hbm>>, %arg3: memref<32x3328xi32, #tpu.memory_space<hbm>>, %arg4: memref<1000000x16xf32, #tpu.memory_space<hbm>>, %arg5: memref<62500x16xf32, #tpu.memory_space<hbm>>, %arg6: memref<32x3328x16xf32, #tpu.memory_space<hbm>>, %arg7: memref<32x128xf32, #tpu.memory_space<hbm>>, %arg8: memref<3328xi32, #tpu.memory_space<vmem>>, %arg9: memref<3328xi32, #tpu.memory_space<vmem>>, %arg10: memref<3328x16xf32, #tpu.memory_space<vmem>>, %arg11: memref<128xf32, #tpu.memory_space<vmem>>, %arg12: memref<!tpu.dma_semaphore, #tpu.memory_space<semaphore_mem>>, %arg13: memref<!tpu.dma_semaphore, #tpu.memory_space<semaphore_mem>>) attributes {dimension_semantics = [#tpu.dimension_semantics<core_parallel>, #tpu.dimension_semantics<subcore_parallel>], iteration_bounds = array<i64: 2, 16>, scalar_prefetch = 0 : i64, scratch_operands = 6 : i64, tpu.core_type = #tpu.core_type<sc_vector_subcore>, window_params = [{transform_indices = #map}, {transform_indices = #map}, {transform_indices = #map}, {transform_indices = #map}, {transform_indices = #map1}, {transform_indices = #map}]} {
    %mul3A = arith.constant 2 : i32
    %mul3A_0 = arith.muli %arg1, %mul3A : i32
    %add3A = arith.addi %mul3A_0, %arg0 : i32
    "tpu.region"() ({
      %run_scoped3A = tpu.sem_alloc : memref<!tpu.dma_semaphore, #tpu.memory_space<semaphore_mem>>
      %dma_start3A = arith.constant 0 : i32
      %dma_start3A_26 = tpu.memref_slice %arg2[%add3A, %dma_start3A] : memref<32x3328xi32, #tpu.memory_space<hbm>> -> memref<1x3328xi32, #tpu.memory_space<hbm>>
      %dma_start3A_27 = tpu.memref_squeeze %dma_start3A_26 : memref<1x3328xi32, #tpu.memory_space<hbm>> -> memref<3328xi32, #tpu.memory_space<hbm>>
      %dma_start3A_28 = arith.constant 0 : i32
      %dma_start3A_29 = tpu.memref_slice %arg2[%add3A, %dma_start3A_28] : memref<32x3328xi32, #tpu.memory_space<hbm>> -> memref<1x3328xi32, #tpu.memory_space<hbm>>
      %dma_start3A_30 = tpu.memref_squeeze %dma_start3A_29 : memref<1x3328xi32, #tpu.memory_space<hbm>> -> memref<3328xi32, #tpu.memory_space<hbm>>
      tpu.enqueue_dma source(%dma_start3A_30 : memref<3328xi32, #tpu.memory_space<hbm>>) target(%arg8 : memref<3328xi32, #tpu.memory_space<vmem>>) target_semaphore(%run_scoped3A : memref<!tpu.dma_semaphore, #tpu.memory_space<semaphore_mem>>)
      %dma_wait3A_31 = arith.constant 0 : i32
      %dma_wait3A_32 = tpu.memref_slice %arg2[%add3A, %dma_wait3A_31] : memref<32x3328xi32, #tpu.memory_space<hbm>> -> memref<1x3328xi32, #tpu.memory_space<hbm>>
      %dma_wait3A_33 = tpu.memref_squeeze %dma_wait3A_32 : memref<1x3328xi32, #tpu.memory_space<hbm>> -> memref<3328xi32, #tpu.memory_space<hbm>>
      %dma_wait3A_34 = arith.constant 0 : i32
      %dma_wait3A_35 = tpu.memref_slice %arg2[%add3A, %dma_wait3A_34] : memref<32x3328xi32, #tpu.memory_space<hbm>> -> memref<1x3328xi32, #tpu.memory_space<hbm>>
      %dma_wait3A_36 = tpu.memref_squeeze %dma_wait3A_35 : memref<1x3328xi32, #tpu.memory_space<hbm>> -> memref<3328xi32, #tpu.memory_space<hbm>>
      tpu.wait_dma2 semaphore(%run_scoped3A : memref<!tpu.dma_semaphore, #tpu.memory_space<semaphore_mem>>) src(%dma_wait3A_36 : memref<3328xi32, #tpu.memory_space<hbm>>) dst(%arg8 : memref<3328xi32, #tpu.memory_space<vmem>>)
      tpu.yield
    }) : () -> ()
    "tpu.region"() ({
      %run_scoped3A = tpu.sem_alloc : memref<!tpu.dma_semaphore, #tpu.memory_space<semaphore_mem>>
      %dma_start3A = arith.constant 0 : i32
      %dma_start3A_26 = tpu.memref_slice %arg3[%add3A, %dma_start3A] : memref<32x3328xi32, #tpu.memory_space<hbm>> -> memref<1x3328xi32, #tpu.memory_space<hbm>>
      %dma_start3A_27 = tpu.memref_squeeze %dma_start3A_26 : memref<1x3328xi32, #tpu.memory_space<hbm>> -> memref<3328xi32, #tpu.memory_space<hbm>>
      %dma_start3A_28 = arith.constant 0 : i32
      %dma_start3A_29 = tpu.memref_slice %arg3[%add3A, %dma_start3A_28] : memref<32x3328xi32, #tpu.memory_space<hbm>> -> memref<1x3328xi32, #tpu.memory_space<hbm>>
      %dma_start3A_30 = tpu.memref_squeeze %dma_start3A_29 : memref<1x3328xi32, #tpu.memory_space<hbm>> -> memref<3328xi32, #tpu.memory_space<hbm>>
      tpu.enqueue_dma source(%dma_start3A_30 : memref<3328xi32, #tpu.memory_space<hbm>>) target(%arg9 : memref<3328xi32, #tpu.memory_space<vmem>>) target_semaphore(%run_scoped3A : memref<!tpu.dma_semaphore, #tpu.memory_space<semaphore_mem>>)
      %dma_wait3A_31 = arith.constant 0 : i32
      %dma_wait3A_32 = tpu.memref_slice %arg3[%add3A, %dma_wait3A_31] : memref<32x3328xi32, #tpu.memory_space<hbm>> -> memref<1x3328xi32, #tpu.memory_space<hbm>>
      %dma_wait3A_33 = tpu.memref_squeeze %dma_wait3A_32 : memref<1x3328xi32, #tpu.memory_space<hbm>> -> memref<3328xi32, #tpu.memory_space<hbm>>
      %dma_wait3A_34 = arith.constant 0 : i32
      %dma_wait3A_35 = tpu.memref_slice %arg3[%add3A, %dma_wait3A_34] : memref<32x3328xi32, #tpu.memory_space<hbm>> -> memref<1x3328xi32, #tpu.memory_space<hbm>>
      %dma_wait3A_36 = tpu.memref_squeeze %dma_wait3A_35 : memref<1x3328xi32, #tpu.memory_space<hbm>> -> memref<3328xi32, #tpu.memory_space<hbm>>
      tpu.wait_dma2 semaphore(%run_scoped3A : memref<!tpu.dma_semaphore, #tpu.memory_space<semaphore_mem>>) src(%dma_wait3A_36 : memref<3328xi32, #tpu.memory_space<hbm>>) dst(%arg9 : memref<3328xi32, #tpu.memory_space<vmem>>)
      tpu.yield
    }) : () -> ()
    %scan3A = arith.constant 0 : i32
    %scan3A_1 = arith.constant 26 : i32
    %scan3A_2 = arith.addi %scan3A, %scan3A_1 : i32
    %scan3A_3 = arith.constant 1 : i32
    scf.for %scan3A_26 = %scan3A to %scan3A_2 step %scan3A_3  : i32 {
      %mul3A_27 = arith.constant 1 : i32
      %mul3A_28 = arith.muli %scan3A_26, %mul3A_27 : i32
      %add3A_29 = arith.constant 0 : i32
      %add3A_30 = arith.addi %add3A_29, %mul3A_28 : i32
      %mul3A_31 = arith.constant 128 : i32
      %mul3A_32 = arith.muli %add3A_30, %mul3A_31 : i32
      %dma_start3A = arith.constant 0 : i32
      %dma_start3A_33 = tpu.memref_slice %arg10[%mul3A_32, %dma_start3A] : memref<3328x16xf32, #tpu.memory_space<vmem>> -> memref<128x16xf32, #tpu.memory_space<vmem>>
      %dma_start3A_34 = tpu.memref_slice %arg9[%mul3A_32] : memref<3328xi32, #tpu.memory_space<vmem>> -> memref<128xi32, #tpu.memory_space<vmem>>
      %dma_start3A_35 = arith.constant 0 : i32
      %dma_start3A_36 = arith.constant 0 : i32
      %dma_start3A_37 = tpu.memref_slice %arg5[%dma_start3A_35, %dma_start3A_36] : memref<62500x16xf32, #tpu.memory_space<hbm>> -> memref<62500x16xf32, #tpu.memory_space<hbm>>
      tpu.enqueue_indirect_dma source(%dma_start3A_37 : memref<62500x16xf32, #tpu.memory_space<hbm>>) target(%dma_start3A_33 : memref<128x16xf32, #tpu.memory_space<vmem>>) offsets(%dma_start3A_34 : memref<128xi32, #tpu.memory_space<vmem>>) semaphore(%arg13 : memref<!tpu.dma_semaphore, #tpu.memory_space<semaphore_mem>>)
    }
    %scan3A_4 = arith.constant 26 : i32
    %dma_wait3A = arith.constant 0 : i32
    %dma_wait3A_5 = arith.constant 0 : i32
    %dma_wait3A_6 = tpu.memref_slice %arg5[%dma_wait3A, %dma_wait3A_5] : memref<62500x16xf32, #tpu.memory_space<hbm>> -> memref<3328x16xf32, #tpu.memory_space<hbm>>
    %dma_wait3A_7 = arith.constant 0 : i32
    %dma_wait3A_8 = arith.constant 0 : i32
    %dma_wait3A_9 = tpu.memref_slice %arg5[%dma_wait3A_7, %dma_wait3A_8] : memref<62500x16xf32, #tpu.memory_space<hbm>> -> memref<3328x16xf32, #tpu.memory_space<hbm>>
    tpu.wait_dma2 semaphore(%arg13 : memref<!tpu.dma_semaphore, #tpu.memory_space<semaphore_mem>>) src(%dma_wait3A_9 : memref<3328x16xf32, #tpu.memory_space<hbm>>) dst(%arg10 : memref<3328x16xf32, #tpu.memory_space<vmem>>)
    %iota3A = tpu.iota {dimensions = array<i32: 0>} : vector<16xi32>
    %scan3A_10 = arith.constant 0 : i32
    %scan3A_11 = arith.constant 8 : i32
    %scan3A_12 = arith.addi %scan3A_10, %scan3A_11 : i32
    %scan3A_13 = arith.constant 1 : i32
    scf.for %scan3A_26 = %scan3A_10 to %scan3A_12 step %scan3A_13  : i32 {
      %mul3A_27 = arith.constant 1 : i32
      %mul3A_28 = arith.muli %scan3A_26, %mul3A_27 : i32
      %add3A_29 = arith.constant 0 : i32
      %add3A_30 = arith.addi %add3A_29, %mul3A_28 : i32
      %mul3A_31 = arith.constant 416 : i32
      %mul3A_32 = arith.muli %add3A_30, %mul3A_31 : i32
      %broadcast_in_dim3A = arith.constant 0.000000e+00 : f32
      %broadcast_in_dim3A_33 = vector.broadcast %broadcast_in_dim3A : f32 to vector<16xf32>
      %scan3A_34 = arith.constant 0 : i32
      %scan3A_35 = arith.constant 26 : i32
      %scan3A_36 = arith.addi %scan3A_34, %scan3A_35 : i32
      %scan3A_37 = arith.constant 1 : i32
      %scan3A_38 = scf.for %scan3A_43 = %scan3A_34 to %scan3A_36 step %scan3A_37 iter_args(%scan3A_44 = %broadcast_in_dim3A_33) -> (vector<16xf32>)  : i32 {
        %mul3A_45 = arith.constant 1 : i32
        %mul3A_46 = arith.muli %scan3A_43, %mul3A_45 : i32
        %add3A_47 = arith.constant 0 : i32
        %add3A_48 = arith.addi %add3A_47, %mul3A_46 : i32
        %mul3A_49 = arith.constant 26 : i32
        %mul3A_50 = vector.broadcast %mul3A_49 : i32 to vector<16xi32>
        %mul3A_51 = arith.muli %iota3A, %mul3A_50 : vector<16xi32>
        %add3A_52 = vector.broadcast %mul3A_32 : i32 to vector<16xi32>
        %add3A_53 = arith.addi %add3A_52, %mul3A_51 : vector<16xi32>
        %add3A_54 = vector.broadcast %add3A_48 : i32 to vector<16xi32>
        %add3A_55 = arith.addi %add3A_53, %add3A_54 : vector<16xi32>
        %gather3A = tpu.vector_load_idx %arg8[%add3A_55] : memref<3328xi32, #tpu.memory_space<vmem>>[vector<16xi32>], vector<16xi32>,
        %and3A = arith.constant 15 : i32
        %and3A_56 = vector.broadcast %and3A : i32 to vector<16xi32>
        %and3A_57 = arith.andi %gather3A, %and3A_56 : vector<16xi32>
        %gather3A_58 = tpu.vector_load_idx %arg10[%add3A_55, %and3A_57] : memref<3328x16xf32, #tpu.memory_space<vmem>>[vector<16xi32>, vector<16xi32>], vector<16xf32>,
        %add3A_59 = arith.addf %scan3A_44, %gather3A_58 : vector<16xf32>
        scf.yield %add3A_59 : vector<16xf32>
      }
      %scan3A_39 = arith.constant 26 : i32
      %mul3A_40 = arith.constant 16 : i32
      %mul3A_41 = arith.muli %add3A_30, %mul3A_40 : i32
      %swap3A = arith.index_cast %mul3A_41 : i32 to index
      %swap3A_42 = tpu.vector_load %arg11[%swap3A] {strides = array<i32>} : memref<128xf32, #tpu.memory_space<vmem>>, vector<16xf32>,
      tpu.vector_store %arg11[%swap3A], %scan3A_38 {strides = array<i32>} : memref<128xf32, #tpu.memory_space<vmem>>, vector<16xf32>,
    }
    %scan3A_14 = arith.constant 8 : i32
    %scan3A_15 = arith.constant 0 : i32
    %scan3A_16 = arith.constant 26 : i32
    %scan3A_17 = arith.addi %scan3A_15, %scan3A_16 : i32
    %scan3A_18 = arith.constant 1 : i32
    scf.for %scan3A_26 = %scan3A_15 to %scan3A_17 step %scan3A_18  : i32 {
      %mul3A_27 = arith.constant 1 : i32
      %mul3A_28 = arith.muli %scan3A_26, %mul3A_27 : i32
      %add3A_29 = arith.constant 0 : i32
      %add3A_30 = arith.addi %add3A_29, %mul3A_28 : i32
      %mul3A_31 = arith.constant 128 : i32
      %mul3A_32 = arith.muli %add3A_30, %mul3A_31 : i32
      %dma_start3A = arith.constant 0 : i32
      %dma_start3A_33 = tpu.memref_slice %arg10[%mul3A_32, %dma_start3A] : memref<3328x16xf32, #tpu.memory_space<vmem>> -> memref<128x16xf32, #tpu.memory_space<vmem>>
      %dma_start3A_34 = tpu.memref_slice %arg8[%mul3A_32] : memref<3328xi32, #tpu.memory_space<vmem>> -> memref<128xi32, #tpu.memory_space<vmem>>
      %dma_start3A_35 = arith.constant 0 : i32
      %dma_start3A_36 = arith.constant 0 : i32
      %dma_start3A_37 = tpu.memref_slice %arg4[%dma_start3A_35, %dma_start3A_36] : memref<1000000x16xf32, #tpu.memory_space<hbm>> -> memref<1000000x16xf32, #tpu.memory_space<hbm>>
      tpu.enqueue_indirect_dma source(%dma_start3A_37 : memref<1000000x16xf32, #tpu.memory_space<hbm>>) target(%dma_start3A_33 : memref<128x16xf32, #tpu.memory_space<vmem>>) offsets(%dma_start3A_34 : memref<128xi32, #tpu.memory_space<vmem>>) semaphore(%arg12 : memref<!tpu.dma_semaphore, #tpu.memory_space<semaphore_mem>>)
    }
    %scan3A_19 = arith.constant 26 : i32
    %dma_wait3A_20 = arith.constant 0 : i32
    %dma_wait3A_21 = arith.constant 0 : i32
    %dma_wait3A_22 = tpu.memref_slice %arg4[%dma_wait3A_20, %dma_wait3A_21] : memref<1000000x16xf32, #tpu.memory_space<hbm>> -> memref<3328x16xf32, #tpu.memory_space<hbm>>
    %dma_wait3A_23 = arith.constant 0 : i32
    %dma_wait3A_24 = arith.constant 0 : i32
    %dma_wait3A_25 = tpu.memref_slice %arg4[%dma_wait3A_23, %dma_wait3A_24] : memref<1000000x16xf32, #tpu.memory_space<hbm>> -> memref<3328x16xf32, #tpu.memory_space<hbm>>
    tpu.wait_dma2 semaphore(%arg12 : memref<!tpu.dma_semaphore, #tpu.memory_space<semaphore_mem>>) src(%dma_wait3A_25 : memref<3328x16xf32, #tpu.memory_space<hbm>>) dst(%arg10 : memref<3328x16xf32, #tpu.memory_space<vmem>>)
    "tpu.region"() ({
      %run_scoped3A = tpu.sem_alloc : memref<!tpu.dma_semaphore, #tpu.memory_space<semaphore_mem>>
      %dma_start3A = arith.constant 0 : i32
      %dma_start3A_26 = arith.constant 0 : i32
      %dma_start3A_27 = tpu.memref_slice %arg6[%add3A, %dma_start3A, %dma_start3A_26] : memref<32x3328x16xf32, #tpu.memory_space<hbm>> -> memref<1x3328x16xf32, #tpu.memory_space<hbm>>
      %dma_start3A_28 = tpu.memref_squeeze %dma_start3A_27 : memref<1x3328x16xf32, #tpu.memory_space<hbm>> -> memref<3328x16xf32, #tpu.memory_space<hbm>>
      %dma_start3A_29 = arith.constant 0 : i32
      %dma_start3A_30 = arith.constant 0 : i32
      %dma_start3A_31 = tpu.memref_slice %arg6[%add3A, %dma_start3A_29, %dma_start3A_30] : memref<32x3328x16xf32, #tpu.memory_space<hbm>> -> memref<1x3328x16xf32, #tpu.memory_space<hbm>>
      %dma_start3A_32 = tpu.memref_squeeze %dma_start3A_31 : memref<1x3328x16xf32, #tpu.memory_space<hbm>> -> memref<3328x16xf32, #tpu.memory_space<hbm>>
      tpu.enqueue_dma source(%arg10 : memref<3328x16xf32, #tpu.memory_space<vmem>>) target(%dma_start3A_32 : memref<3328x16xf32, #tpu.memory_space<hbm>>) target_semaphore(%run_scoped3A : memref<!tpu.dma_semaphore, #tpu.memory_space<semaphore_mem>>)
      %dma_wait3A_33 = arith.constant 0 : i32
      %dma_wait3A_34 = arith.constant 0 : i32
      %dma_wait3A_35 = tpu.memref_slice %arg6[%add3A, %dma_wait3A_33, %dma_wait3A_34] : memref<32x3328x16xf32, #tpu.memory_space<hbm>> -> memref<1x3328x16xf32, #tpu.memory_space<hbm>>
      %dma_wait3A_36 = tpu.memref_squeeze %dma_wait3A_35 : memref<1x3328x16xf32, #tpu.memory_space<hbm>> -> memref<3328x16xf32, #tpu.memory_space<hbm>>
      %dma_wait3A_37 = arith.constant 0 : i32
      %dma_wait3A_38 = arith.constant 0 : i32
      %dma_wait3A_39 = tpu.memref_slice %arg6[%add3A, %dma_wait3A_37, %dma_wait3A_38] : memref<32x3328x16xf32, #tpu.memory_space<hbm>> -> memref<1x3328x16xf32, #tpu.memory_space<hbm>>
      %dma_wait3A_40 = tpu.memref_squeeze %dma_wait3A_39 : memref<1x3328x16xf32, #tpu.memory_space<hbm>> -> memref<3328x16xf32, #tpu.memory_space<hbm>>
      tpu.wait_dma2 semaphore(%run_scoped3A : memref<!tpu.dma_semaphore, #tpu.memory_space<semaphore_mem>>) src(%arg10 : memref<3328x16xf32, #tpu.memory_space<vmem>>) dst(%dma_wait3A_40 : memref<3328x16xf32, #tpu.memory_space<hbm>>)
      tpu.yield
    }) : () -> ()
    "tpu.region"() ({
      %run_scoped3A = tpu.sem_alloc : memref<!tpu.dma_semaphore, #tpu.memory_space<semaphore_mem>>
      %dma_start3A = arith.constant 0 : i32
      %dma_start3A_26 = tpu.memref_slice %arg7[%add3A, %dma_start3A] : memref<32x128xf32, #tpu.memory_space<hbm>> -> memref<1x128xf32, #tpu.memory_space<hbm>>
      %dma_start3A_27 = tpu.memref_squeeze %dma_start3A_26 : memref<1x128xf32, #tpu.memory_space<hbm>> -> memref<128xf32, #tpu.memory_space<hbm>>
      %dma_start3A_28 = arith.constant 0 : i32
      %dma_start3A_29 = tpu.memref_slice %arg7[%add3A, %dma_start3A_28] : memref<32x128xf32, #tpu.memory_space<hbm>> -> memref<1x128xf32, #tpu.memory_space<hbm>>
      %dma_start3A_30 = tpu.memref_squeeze %dma_start3A_29 : memref<1x128xf32, #tpu.memory_space<hbm>> -> memref<128xf32, #tpu.memory_space<hbm>>
      tpu.enqueue_dma source(%arg11 : memref<128xf32, #tpu.memory_space<vmem>>) target(%dma_start3A_30 : memref<128xf32, #tpu.memory_space<hbm>>) target_semaphore(%run_scoped3A : memref<!tpu.dma_semaphore, #tpu.memory_space<semaphore_mem>>)
      %dma_wait3A_31 = arith.constant 0 : i32
      %dma_wait3A_32 = tpu.memref_slice %arg7[%add3A, %dma_wait3A_31] : memref<32x128xf32, #tpu.memory_space<hbm>> -> memref<1x128xf32, #tpu.memory_space<hbm>>
      %dma_wait3A_33 = tpu.memref_squeeze %dma_wait3A_32 : memref<1x128xf32, #tpu.memory_space<hbm>> -> memref<128xf32, #tpu.memory_space<hbm>>
      %dma_wait3A_34 = arith.constant 0 : i32
      %dma_wait3A_35 = tpu.memref_slice %arg7[%add3A, %dma_wait3A_34] : memref<32x128xf32, #tpu.memory_space<hbm>> -> memref<1x128xf32, #tpu.memory_space<hbm>>
      %dma_wait3A_36 = tpu.memref_squeeze %dma_wait3A_35 : memref<1x128xf32, #tpu.memory_space<hbm>> -> memref<128xf32, #tpu.memory_space<hbm>>
      tpu.wait_dma2 semaphore(%run_scoped3A : memref<!tpu.dma_semaphore, #tpu.memory_space<semaphore_mem>>) src(%arg11 : memref<128xf32, #tpu.memory_space<vmem>>) dst(%dma_wait3A_36 : memref<128xf32, #tpu.memory_space<hbm>>)
      tpu.yield
    }) : () -> ()
    return
  }
}

module attributes {stable_mosaic.version = 14 : i64} {
  func.func @_tc_body(%arg0: i32, %arg1: memref<512x416xf32, #tpu.memory_space<vmem>>, %arg2: memref<512x1xf32, #tpu.memory_space<vmem>>, %arg3: memref<416x400xf32, #tpu.memory_space<vmem>>, %arg4: memref<1x400xf32, #tpu.memory_space<vmem>>, %arg5: memref<400x400xf32, #tpu.memory_space<vmem>>, %arg6: memref<1x400xf32, #tpu.memory_space<vmem>>, %arg7: memref<400x1xf32, #tpu.memory_space<vmem>>, %arg8: memref<1x1xf32, #tpu.memory_space<vmem>>, %arg9: memref<416x416xf32, #tpu.memory_space<vmem>>, %arg10: memref<512x1xf32, #tpu.memory_space<vmem>>, %arg11: memref<512x1xf32, #tpu.memory_space<vmem>>) attributes {dimension_semantics = [#tpu.dimension_semantics<arbitrary>], iteration_bounds = array<i64: 8>, scalar_prefetch = 0 : i64, scratch_operands = 0 : i64, tpu.core_type = #tpu.core_type<tc>, window_params = [{transform_indices = @transform_0, window_bounds = array<i64: 512, 416>}, {transform_indices = @transform_1, window_bounds = array<i64: 512, 1>}, {pipeline_mode = #tpu.pipeline_mode<synchronous>, transform_indices = @transform_2, window_bounds = array<i64: 416, 400>}, {pipeline_mode = #tpu.pipeline_mode<synchronous>, transform_indices = @transform_3, window_bounds = array<i64: 1, 400>}, {pipeline_mode = #tpu.pipeline_mode<synchronous>, transform_indices = @transform_4, window_bounds = array<i64: 400, 400>}, {pipeline_mode = #tpu.pipeline_mode<synchronous>, transform_indices = @transform_5, window_bounds = array<i64: 1, 400>}, {pipeline_mode = #tpu.pipeline_mode<synchronous>, transform_indices = @transform_6, window_bounds = array<i64: 400, 1>}, {pipeline_mode = #tpu.pipeline_mode<synchronous>, transform_indices = @transform_7, window_bounds = array<i64: 1, 1>}, {pipeline_mode = #tpu.pipeline_mode<synchronous>, transform_indices = @transform_8, window_bounds = array<i64: 416, 416>}, {transform_indices = @transform_9, window_bounds = array<i64: 512, 1>}, {transform_indices = @transform_10, window_bounds = array<i64: 512, 1>}]} {
    %get3A = arith.constant 0 : index
    %get3A_0 = arith.constant 0 : index
    %get3A_1 = vector.load %arg1[%get3A, %get3A_0] : memref<512x416xf32, #tpu.memory_space<vmem>>, vector<512x416xf32>
    %get3A_2 = arith.constant 0 : index
    %get3A_3 = arith.constant 0 : index
    %get3A_4 = vector.load %arg3[%get3A_2, %get3A_3] : memref<416x400xf32, #tpu.memory_space<vmem>>, vector<416x400xf32>
    %dot_general3A = arith.constant dense<0.000000e+00> : vector<512x400xf32>
    %dot_general3A_5 = tpu.matmul %get3A_1, %get3A_4, %dot_general3A {dimension_numbers = #tpu.dot_dimension_numbers<[1], [0], [0], [1], [0, 0, 1, 1], [], []>, transpose_lhs_hint = false} : vector<512x416xf32>, vector<416x400xf32>, vector<512x400xf32> -> vector<512x400xf32>
    %get3A_6 = arith.constant 0 : index
    %get3A_7 = arith.constant 0 : index
    %get3A_8 = vector.load %arg4[%get3A_6, %get3A_7] : memref<1x400xf32, #tpu.memory_space<vmem>>, vector<1x400xf32>
    %add3A = vector.broadcast %get3A_8 : vector<1x400xf32> to vector<512x400xf32>
    %add3A_9 = arith.addf %dot_general3A_5, %add3A : vector<512x400xf32>
    %max3A = arith.constant 0.000000e+00 : f32
    %max3A_10 = vector.broadcast %max3A : f32 to vector<512x400xf32>
    %max3A_11 = arith.maximumf %add3A_9, %max3A_10 : vector<512x400xf32>
    %get3A_12 = arith.constant 0 : index
    %get3A_13 = arith.constant 0 : index
    %get3A_14 = vector.load %arg5[%get3A_12, %get3A_13] : memref<400x400xf32, #tpu.memory_space<vmem>>, vector<400x400xf32>
    %dot_general3A_15 = arith.constant dense<0.000000e+00> : vector<512x400xf32>
    %dot_general3A_16 = tpu.matmul %max3A_11, %get3A_14, %dot_general3A_15 {dimension_numbers = #tpu.dot_dimension_numbers<[1], [0], [0], [1], [0, 0, 1, 1], [], []>, transpose_lhs_hint = false} : vector<512x400xf32>, vector<400x400xf32>, vector<512x400xf32> -> vector<512x400xf32>
    %get3A_17 = arith.constant 0 : index
    %get3A_18 = arith.constant 0 : index
    %get3A_19 = vector.load %arg6[%get3A_17, %get3A_18] : memref<1x400xf32, #tpu.memory_space<vmem>>, vector<1x400xf32>
    %add3A_20 = vector.broadcast %get3A_19 : vector<1x400xf32> to vector<512x400xf32>
    %add3A_21 = arith.addf %dot_general3A_16, %add3A_20 : vector<512x400xf32>
    %max3A_22 = arith.constant 0.000000e+00 : f32
    %max3A_23 = vector.broadcast %max3A_22 : f32 to vector<512x400xf32>
    %max3A_24 = arith.maximumf %add3A_21, %max3A_23 : vector<512x400xf32>
    %get3A_25 = arith.constant 0 : index
    %get3A_26 = arith.constant 0 : index
    %get3A_27 = vector.load %arg7[%get3A_25, %get3A_26] : memref<400x1xf32, #tpu.memory_space<vmem>>, vector<400x1xf32>
    %dot_general3A_28 = arith.constant dense<0.000000e+00> : vector<512x1xf32>
    %dot_general3A_29 = tpu.matmul %max3A_24, %get3A_27, %dot_general3A_28 {dimension_numbers = #tpu.dot_dimension_numbers<[1], [0], [0], [1], [0, 0, 1, 1], [], []>, transpose_lhs_hint = false} : vector<512x400xf32>, vector<400x1xf32>, vector<512x1xf32> -> vector<512x1xf32>
    %get3A_30 = arith.constant 0 : index
    %get3A_31 = arith.constant 0 : index
    %get3A_32 = vector.load %arg9[%get3A_30, %get3A_31] : memref<416x416xf32, #tpu.memory_space<vmem>>, vector<416x416xf32>
    %dot_general3A_33 = arith.constant dense<0.000000e+00> : vector<512x416xf32>
    %dot_general3A_34 = tpu.matmul %get3A_1, %get3A_32, %dot_general3A_33 {dimension_numbers = #tpu.dot_dimension_numbers<[1], [0], [0], [1], [0, 0, 1, 1], [], []>, transpose_lhs_hint = false} : vector<512x416xf32>, vector<416x416xf32>, vector<512x416xf32> -> vector<512x416xf32>
    %mul3A = arith.mulf %get3A_1, %dot_general3A_34 : vector<512x416xf32>
    %reduce_sum3A = arith.constant dense<0.000000e+00> : vector<512xf32>
    %reduce_sum3A_35 = vector.multi_reduction <add>, %mul3A, %reduce_sum3A [1] : vector<512x416xf32> to vector<512xf32>
    %broadcast_in_dim3A = vector.shape_cast %reduce_sum3A_35 : vector<512xf32> to vector<512x1xf32>
    %get3A_36 = arith.constant 0 : index
    %get3A_37 = arith.constant 0 : index
    %get3A_38 = vector.load %arg2[%get3A_36, %get3A_37] : memref<512x1xf32, #tpu.memory_space<vmem>>, vector<512x1xf32>
    %add3A_39 = arith.addf %get3A_38, %broadcast_in_dim3A : vector<512x1xf32>
    %add3A_40 = arith.addf %add3A_39, %dot_general3A_29 : vector<512x1xf32>
    %get3A_41 = arith.constant 0 : index
    %get3A_42 = arith.constant 0 : index
    %get3A_43 = vector.load %arg8[%get3A_41, %get3A_42] : memref<1x1xf32, #tpu.memory_space<vmem>>, vector<1x1xf32>
    %add3A_44 = vector.broadcast %get3A_43 : vector<1x1xf32> to vector<512x1xf32>
    %add3A_45 = arith.addf %add3A_40, %add3A_44 : vector<512x1xf32>
    %swap3A = arith.constant 0 : index
    %swap3A_46 = arith.constant 0 : index
    %swap3A_47 = vector.load %arg10[%swap3A, %swap3A_46] : memref<512x1xf32, #tpu.memory_space<vmem>>, vector<512x1xf32>
    tpu.vector_store %arg10[%swap3A, %swap3A_46], %add3A_45 {strides = array<i32>} : memref<512x1xf32, #tpu.memory_space<vmem>>, vector<512x1xf32>,
    %logistic3A = arith.negf %add3A_45 : vector<512x1xf32>
    %logistic3A_48 = math.exp %logistic3A : vector<512x1xf32>
    %logistic3A_49 = arith.constant 1.000000e+00 : f32
    %logistic3A_50 = vector.broadcast %logistic3A_49 : f32 to vector<512x1xf32>
    %logistic3A_51 = arith.addf %logistic3A_50, %logistic3A_48 : vector<512x1xf32>
    %logistic3A_52 = arith.divf %logistic3A_50, %logistic3A_51 : vector<512x1xf32>
    %swap3A_53 = arith.constant 0 : index
    %swap3A_54 = arith.constant 0 : index
    %swap3A_55 = vector.load %arg11[%swap3A_53, %swap3A_54] : memref<512x1xf32, #tpu.memory_space<vmem>>, vector<512x1xf32>
    tpu.vector_store %arg11[%swap3A_53, %swap3A_54], %logistic3A_52 {strides = array<i32>} : memref<512x1xf32, #tpu.memory_space<vmem>>, vector<512x1xf32>,
    return
  }
  func.func @transform_0(%arg0: i32) -> (i32, i32) {
    %c0_i32 = arith.constant 0 : i32
    %c0_i32_0 = arith.constant 0 : i32
    return %arg0, %c0_i32 : i32, i32
  }
  func.func @transform_1(%arg0: i32) -> (i32, i32) {
    %c0_i32 = arith.constant 0 : i32
    %c0_i32_0 = arith.constant 0 : i32
    return %arg0, %c0_i32 : i32, i32
  }
  func.func @transform_2(%arg0: i32) -> (i32, i32) {
    %c0_i32 = arith.constant 0 : i32
    %c0_i32_0 = arith.constant 0 : i32
    %c0_i32_1 = arith.constant 0 : i32
    return %c0_i32, %c0_i32_0 : i32, i32
  }
  func.func @transform_3(%arg0: i32) -> (i32, i32) {
    %c0_i32 = arith.constant 0 : i32
    %c0_i32_0 = arith.constant 0 : i32
    %c0_i32_1 = arith.constant 0 : i32
    return %c0_i32, %c0_i32_0 : i32, i32
  }
  func.func @transform_4(%arg0: i32) -> (i32, i32) {
    %c0_i32 = arith.constant 0 : i32
    %c0_i32_0 = arith.constant 0 : i32
    %c0_i32_1 = arith.constant 0 : i32
    return %c0_i32, %c0_i32_0 : i32, i32
  }
  func.func @transform_5(%arg0: i32) -> (i32, i32) {
    %c0_i32 = arith.constant 0 : i32
    %c0_i32_0 = arith.constant 0 : i32
    %c0_i32_1 = arith.constant 0 : i32
    return %c0_i32, %c0_i32_0 : i32, i32
  }
  func.func @transform_6(%arg0: i32) -> (i32, i32) {
    %c0_i32 = arith.constant 0 : i32
    %c0_i32_0 = arith.constant 0 : i32
    %c0_i32_1 = arith.constant 0 : i32
    return %c0_i32, %c0_i32_0 : i32, i32
  }
  func.func @transform_7(%arg0: i32) -> (i32, i32) {
    %c0_i32 = arith.constant 0 : i32
    %c0_i32_0 = arith.constant 0 : i32
    %c0_i32_1 = arith.constant 0 : i32
    return %c0_i32, %c0_i32_0 : i32, i32
  }
  func.func @transform_8(%arg0: i32) -> (i32, i32) {
    %c0_i32 = arith.constant 0 : i32
    %c0_i32_0 = arith.constant 0 : i32
    %c0_i32_1 = arith.constant 0 : i32
    return %c0_i32, %c0_i32_0 : i32, i32
  }
  func.func @transform_9(%arg0: i32) -> (i32, i32) {
    %c0_i32 = arith.constant 0 : i32
    %c0_i32_0 = arith.constant 0 : i32
    return %arg0, %c0_i32 : i32, i32
  }
  func.func @transform_10(%arg0: i32) -> (i32, i32) {
    %c0_i32 = arith.constant 0 : i32
    %c0_i32_0 = arith.constant 0 : i32
    return %arg0, %c0_i32 : i32, i32
  }
}

</mosaic_0001>

<sc_bundles>
// kernel: kernel.4.cloned.1.call-start
scs
__scs_entry_jumppad:
0x0: {  	(pc) =	sbr.rel $0x88, $3  }
0x1: {  	(tag) =	ssettag $0x0;
	lr =	simm.s32 $0x1  }
0x2: {  	[smem:$0x3F97] =	sst lr;
	_ =	strace $0xD0000000  }
0x3: {  	_ = 	snop  }
0x4: {  	_ = 	snop  }
0x5: {  	_ = 	snop  }
0x6: {  	_ = 	snop  }
0x7: {  	_ = 	snop  }
__scs_overlays_trampoline_lowered:
0x8: {  	[smem:$0x3FA6] =	sst s0  }
0x9: {  	[smem:$0x3FA7] =	sst s1  }
0xa: {  	[smem:$0x3FA8] =	sst s2  }
0xb: {  	[smem:$0x3FA9] =	sst s3  }
0xc: {  	[smem:$0x3FAA] =	sst s4  }
0xd: {  	[smem:$0x3FAB] =	sst s5  }
0xe: {  	[smem:$0x3FAC] =	sst s6  }
0xf: {  	[smem:$0x3FAD] =	sst s7  }
0x10: {  	[smem:$0x3FAE] =	sst s8  }
0x11: {  	[smem:$0x3FAF] =	sst s9;
	s0 =	simm.s32 @!p0 $0x0  }
0x12: {  	s1 =	sld [smem:$0x3F95];
	s0 =	simm.s32 @p0 $0x1  }
0x13: {  	[smem:$0x3FB0] =	sst s0;
	s0 =	simm.s32 @!p1 $0x0  }
0x14: {  	s2 =	sld [smem:$0x3F94];
	s0 =	simm.s32 @p1 $0x1  }
0x15: {  	[smem:$0x3FB1] =	sst s0;
	s0 =	simm.s32 @!p2 $0x0  }
0x16: {  	s3 =	sld [smem:$0x3FDB];
	s0 =	simm.s32 @p2 $0x1  }
0x17: {  	s4 =	simm.s32 $0x1BF5;
	[smem:$0x3FB3] =	sst s0  }
0x18: {  	s0 =	sld [smem:$0x3F96];
	_ =	swait.ge [sflag:s4], $0x0  }
0x19: {  	s7 =	sld [smem:$0x3F97]  }
0x1a: {  	s8 =	sadd.s32 $0xFFFFE003, lr  }
0x1b: {  	s9 =	sadd.s32 $0xFFFFFEF7, lr;
	s5 =	simm.s32 $0xFFFFFFFF;
	p2 =	slt.u32 s8, $0xFFFFF086  }
0x1c: {  	p1 =	slt.u32 s9, $0xF7A;
	s5 =	simm.s32 @!p2 $0x0  }
0x1d: {  	s5 =	simm.s32 @p1 $0x1;
	p0 =	seq.s32 s7, s2  }
0x1e: {  	s7 =	smul.u32 @!p0 $0xF7A, s2;
	p2 =	seq.s32 @!p0 s5, $0x0  }
0x1f: {  	s9 =	smul.u32 $0xF7A, s1;
	s8 =	simm.s32 @!p0 $0x1BF5;
	p2 =	por !p2, p0  }
0x20: {  	[sflag:s8] =	ssyncset.s32 @!p0 $0xFFFFF086;
	s6 =	sadd.s32 @!p0 s3, s7;
	s7 =	simm.s32 @!p0 $0x108  }
0x21: {  	s3 =	sadd.s32 s3, s9;
	s6 =	sadd.s32 @!p0 $0x88, s6;
	s7 =	simm.s32 @p2 $0x1082  }
0x22: {  	[simem:s7], [sflag:s8] =	dma.local @!p0 [hbm:s6], $0xF7A  }
0x23: {  	s9 =	sor.u32 $0xD0000000, s2;
	s6 =	simm.s32 $0x108;
	_ =	swait.ge @!p0 [sflag:s8], $0x0  }
0x24: {  	s3 =	sadd.s32 $0x88, s3;
	s6 =	simm.s32 @!p1 $0x1082;
	[sflag:s4] =	ssyncset.s32 $0xFFFFF086  }
0x25: {  	[simem:s6], [sflag:s4] =	dma.local [hbm:s3], $0xF7A  }
0x26: {  	[smem:$0x3F97] =	sst s1;
	(tag) =	ssettag s2;
	_ =	strace s9  }
0x27: {  	s1 =	sld [smem:$0x3FA7]  }
0x28: {  	s2 =	sld [smem:$0x3FA8]  }
0x29: {  	s4 =	sld [smem:$0x3FAA]  }
0x2a: {  	p0 =	seq.s32 s5, $0x0;
	s5 =	sld [smem:$0x3FAB]  }
0x2b: {  	s6 =	sld [smem:$0x3FAC]  }
0x2c: {  	s7 =	sld [smem:$0x3FAD]  }
0x2d: {  	s3 =	simm.s32 $0x108;
	s8 =	sld [smem:$0x3FAE]  }
0x2e: {  	s3 =	simm.s32 @!p0 $0x1082;
	s9 =	sld [smem:$0x3FAF]  }
0x2f: {  	lr =	sadd.s32 s0, s3;
	s0 =	sld [smem:$0x3FA6]  }
0x30: {  	s3 =	sld [smem:$0x3FA9]  }
0x31: {  	[smem:$0x3FB2] =	sst s10  }
0x32: {  	s10 =	sld [smem:$0x3FB0];
	_ =	sdelay $0x3  }
0x33: {  	p0 =	seq.s32 s10, $0x1;
	s10 =	sld [smem:$0x3FB2];
	_ =	sdelay $0x3  }
0x34: {  	[smem:$0x3FB2] =	sst s10  }
0x35: {  	s10 =	sld [smem:$0x3FB1];
	_ =	sdelay $0x3  }
0x36: {  	p1 =	seq.s32 s10, $0x1;
	s10 =	sld [smem:$0x3FB2];
	_ =	sdelay $0x3  }
0x37: {  	[smem:$0x3FB2] =	sst s10  }
0x38: {  	s10 =	sld [smem:$0x3FB3]  }
0x39: {  	_ = 	snop;
	(pc) =	sbr.ind lr, $3  }
0x3a: {  	_ = 	snop  }
0x3b: {  	_ = 	snop  }
0x3c: {  	p2 =	seq.s32 s10, $0x1;
	s10 =	sld [smem:$0x3FB2]  }
0x3d: {  	_ =	shalt  }
0x3e: {  	_ =	shalt  }
0x3f: {  	_ =	shalt  }
0x40: {  	_ =	shalt  }
0x41: {  	_ =	shalt  }
0x42: {  	_ =	shalt  }
0x43: {  	_ =	shalt  }
0x44: {  	_ =	shalt  }
0x45: {  	_ =	shalt  }
0x46: {  	_ =	shalt  }
0x47: {  	_ =	shalt  }
0x48: {  	_ =	shalt  }
0x49: {  	_ =	shalt  }
0x4a: {  	_ =	shalt  }
0x4b: {  	_ =	shalt  }
0x4c: {  	_ =	shalt  }
0x4d: {  	_ =	shalt  }
0x4e: {  	_ =	shalt  }
0x4f: {  	_ =	shalt  }
0x50: {  	_ =	shalt  }
0x51: {  	_ =	shalt  }
0x52: {  	_ =	shalt  }
0x53: {  	_ =	shalt  }
0x54: {  	_ =	shalt  }
0x55: {  	_ =	shalt  }
0x56: {  	_ =	shalt  }
0x57: {  	_ =	shalt  }
0x58: {  	_ =	shalt  }
0x59: {  	_ =	shalt  }
0x5a: {  	_ =	shalt  }
0x5b: {  	_ =	shalt  }
0x5c: {  	_ =	shalt  }
0x5d: {  	_ =	shalt  }
0x5e: {  	_ =	shalt  }
0x5f: {  	_ =	shalt  }
0x60: {  	_ =	shalt  }
0x61: {  	_ =	shalt  }
0x62: {  	_ =	shalt  }
0x63: {  	_ =	shalt  }
0x64: {  	_ =	shalt  }
0x65: {  	_ =	shalt  }
0x66: {  	_ =	shalt  }
0x67: {  	_ =	shalt  }
0x68: {  	_ =	shalt  }
0x69: {  	_ =	shalt  }
0x6a: {  	_ =	shalt  }
0x6b: {  	_ =	shalt  }
0x6c: {  	_ =	shalt  }
0x6d: {  	_ =	shalt  }
0x6e: {  	_ =	shalt  }
0x6f: {  	_ =	shalt  }
0x70: {  	_ =	shalt  }
0x71: {  	_ =	shalt  }
0x72: {  	_ =	shalt  }
0x73: {  	_ =	shalt  }
0x74: {  	_ =	shalt  }
0x75: {  	_ =	shalt  }
0x76: {  	_ =	shalt  }
0x77: {  	_ =	shalt  }
0x78: {  	_ =	shalt  }
0x79: {  	_ =	shalt  }
0x7a: {  	_ =	shalt  }
0x7b: {  	_ =	shalt  }
0x7c: {  	_ =	shalt  }
0x7d: {  	_ =	shalt  }
0x7e: {  	_ =	shalt  }
0x7f: {  	_ =	shalt  }
0x80: {  	_ =	shalt  }
0x81: {  	_ =	shalt  }
0x82: {  	_ =	shalt  }
0x83: {  	_ =	shalt  }
0x84: {  	_ =	shalt  }
0x85: {  	_ =	shalt  }
0x86: {  	_ =	shalt  }
0x87: {  	_ =	shalt  }
.Lfunc_end0:
.L_simem_size_0:
called_computation_lowered:
.L_overlay_start_0:
0x88: {  	s2 =	sld [smem:$0x3FD9]  }
0x89: {  	s3 =	sld [smem:$0x3FFE];
	_ =	sdelay $0x1  }
0x8a: {  	s1 =	srdreg.scid  }
0x8b: {  	s0 =	sand.u32 $0x1, s1  }
0x8c: {  	s14 =	sshll.u32 s0, $0xA;
	s2 =	sadd.s32 s3, s2  }
0x8d: {  	s2 =	sadd.s32 s2, s14  }
0x8e: {  	[smem:$0x3FBE] =	sst s2  }
0x8f: {  	_ = 	snop  }
0x90: {  	s2 =	sld [smem:$0x3FD0];
	_ =	sdelay $0x2  }
0x91: {  	s15 =	simm.s32 $0xA;
	s4 =	simm.s32 $0x10  }
0x92: {  	[smem:s4], [sflag:s15] =	dma.local [hbm:s2], $0x1  }
0x93: {  	_ =	swait.eq [sflag:s15], $0x1  }
0x94: {  	[sflag:s15] =	ssyncset.done $0x0  }
0x95: {  	[sflag:s15] =	ssyncadd.s32 $0xFFFFFFFF  }
0x96: {  	s16 =	sld [smem:$0x11];
	(tm) =	ssettm $0x1  }
0x97: {  	s17 =	sld [smem:$0x3FFB];
	_ =	sdelay $0x3  }
0x98: {  	_ =	strace s17  }
0x99: {  	s3 =	sld [smem:$0x3FFC];
	_ =	sdelay $0x3  }
0x9a: {  	_ =	strace s3  }
0x9b: {  	s3 =	sld [smem:$0x3FFD];
	_ =	sdelay $0x3  }
0x9c: {  	_ =	strace s3  }
0x9d: {  	_ =	strace $0x8FFFFFFF  }
0x9e: {  	s18 =	sld [smem:$0x3FDB];
	_ =	sdelay $0x1  }
0x9f: {  	s19 =	simm.s32 $_scs_section_size  }
0xa0: {  	s5 =	simm.s32 $_size__tile_overlayer_lowered;
	s6 =	simm.s32 $_tile_overlayer_lowered  }
0xa1: {  	s22 =	simm.s32 $0x1BFF;
	s21 =	sshll.u32 s6, $0x1;
	s3 =	sadd.s32 s19, s18  }
0xa2: {  	s7 =	simm.s32 $0x0;
	s20 =	sshll.u32 s5, $0x1;
	s5 =	sadd.s32 s21, s3  }
0xa3: {  	[timem:s7], [sflag:s22] =	dma.local [hbm:s5], s20  }
0xa4: {  	_ =	swait.ge [sflag:s22], s20  }
0xa5: {  	s4 =	ssub.s32 $0x0, s20;
	[sflag:s22] =	ssyncset.done $0x0  }
0xa6: {  	[sflag:s22] =	ssyncadd.s32 s4;
	_ =	sdelay $0x1  }
0xa7: {  	s23 =	simm.s32 $0x1B8B  }
0xa8: {  	_ =	swait.ge [sflag:s23], $0x1  }
0xa9: {  	[sflag:s23] =	ssyncset.done $0x0  }
0xaa: {  	s25 =	simm.s32 $0x1B8E;
	s24 =	sld [smem:$0x3FFE];
	[sflag:s23] =	ssyncadd.s32 $0xFFFFFFFF  }
0xab: {  	s26 =	simm.s32 $execute0_lowered;
	[smem:$0x3FD2] =	sst s25  }
0xac: {  	s5 =	sshll.u32 s26, $0x1;
	_ =	strace $0x80000046;
	[dreg:$0x1] =	wrdreg $0xFFFFFFFF  }
0xad: {  	s28 =	simm.s32 $_size_execute0_lowered;
	s3 =	sadd.s32 s3, s5;
	[dreg:$0x0] =	wrdreg $0x0  }
0xae: {  	s5 =	sshll.u32 s28, $0x1;
	[dreg:$0x2] =	wrdreg s3  }
0xaf: {  	[dreg:$0x3] =	wrdreg s5  }
0xb0: {  	[dreg:$0x4] =	wrdreg $0xC0  }
0xb1: {  	_ =	task [dreg:s7], $0x5FFFF  }
0xb2: {  	[dreg:$0x1] =	wrdreg $0xFFFFFFFF  }
0xb3: {  	[dreg:$0x0] =	wrdreg $0x60  }
0xb4: {  	[dreg:$0x2] =	wrdreg s24  }
0xb5: {  	[dreg:$0x3] =	wrdreg s16  }
0xb6: {  	[dreg:$0x4] =	wrdreg $0x9  }
0xb7: {  	_ =	task.clear_ibuf [dreg:s7], $0x5FFFF;
	_ =	strace $0x90000046  }
0xb8: {  	s29 =	simm.s32 $0x9;
	_ =	strace $0x80000048  }
0xb9: {  	_ =	swait.ge [sflag:s29], $0x1  }
0xba: {  	[sflag:s29] =	ssyncadd.s32 $0xFFFFFFFF  }
0xbb: {  	_ =	strace $0x90000048  }
0xbc: {  	_ =	sfence  }
0xbd: {  	s30 =	sld [smem:$0x0];
	_ =	sdelay $0x2  }
0xbe: {  	s31 =	sshll.u32 s1, $0xD;
	s1 =	sshrl.u32 s1, $0x2  }
0xbf: {  	s3 =	sand.u32 $0x4000, s31;
	s1 =	sadd.s32 s1, s30  }
0xc0: {  	s0 =	sor.u32 s3, s0;
	s1 =	sshll.u32 s1, $0x11  }
0xc1: {  	s0 =	sor.u32 s1, s0  }
0xc2: {  	s0 =	sadd.s32 $0x8F2B, s0  }
0xc3: {  	[sflag:s0] =	ssyncadd.remote.s32 $0x1  }
0xc4: {  	_ =	sfence.sel $0xFFFF  }
0xc5: {  	[dreg:$0x0] =	wrdreg $0xFFFFFFFF;
	(pc) =	sbr.abs _section_cstart, $3  }
0xc6: {  	[dreg:$0x1] =	wrdreg $0xFFFFFFFF  }
0xc7: {  	_ =	task.clear_ibuf [dreg:s7], $0x2FFFF;
	_ =	strace $0x9FFFFFFF  }
0xc8: {  	(tm) =	ssettm $0x7FFFFFFF  }
0xc9: {  	_ =	shalt  }
tec
execute0_lowered:
.L_overlay_start_1:
0x0: {  	(tag) =	ssettag $0x1  }
0x1: {  	s0 =	rddreg [dreg:$0x0];
	s1 =	srdreg.scid  }
0x2: {  	s2 =	stileid.u32;
	s5 =	rddreg [dreg:$0x1];
	s10 =	simm.s32 $0x3  }
0x3: {  	s12 =	simm.s32 $0x80;
	s13 =	simm.s32 $0x1A00;
	s28 =	simm.s32 $0x2A00  }
0x4: {  	s31 =	simm.s32 $0x8A00;
	s16 =	simm.s32 $0x9200;
	s24 =	simm.s32 $0x9A00  }
0x5: {  	s29 =	simm.s32 $0xAA00;
	s20 =	simm.s32 $0xB200;
	s11 =	simm.s32 $0xD200  }
0x6: {  	s15 =	simm.s32 $0x2;
	s17 =	simm.s32 $0x1;
	s19 =	simm.s32 $0x0  }
0x7: {  	s1 =	sand.u32 $0x1, s1;
	s3 =	sshll.u32 s2, $0x1;
	s2 =	simm.s32 $0x0  }
0x8: {  	s4 =	sadd.s32 $0x7600, s0;
	s6 =	sor.u32 s1, s3;
	s1 =	ssub.s32 $0x2, s1  }
0x9: {  	[smem:$0x7FF] =	sst s2;
	s3 =	smul.u32 $0x1A0, s6;
	s9 =	sshrl.u32 s1, $0x1  }
0xa: {  	_ =	strace $0x80000047;
	s8 =	smul.u32 $0x1A00, s6;
	s1 =	ssub.s32 s1, s9  }
0xb: {  	s26 =	sshll.u32 s6, $0x4;
	s7 =	sadd.s32 s3, s0;
	s30 =	smax.u32 s1, $0x1  }
0xc: {  	s3 =	sadd.s32 $0xF49A00, s0;
	s25 =	sadd.s32 $0xE00, s7;
	[dreg:$0x7] =	wrdreg s30  }
0xd: {  	s0 =	sadd.s32 s8, s0;
	s7 =	sadd.s32 $0x4200, s7;
	[dreg:$0x3] =	wrdreg s25  }
0xe: {  	s6 =	simm.s32 $0xC200;
	s0 =	sadd.s32 $0x26000, s0;
	[dreg:$0x4] =	wrdreg s7  }
0xf: {  	s9 =	simm.s32 $0xE200;
	s8 =	simm.s32 $0xDA00;
	[dreg:$0x5] =	wrdreg s0  }
0x10: {  	v0 =	vlaneseq.u32;
	s0 =	sadd.s32 s5, s26;
	s25 =	simm.s32 $0x2200;
	s5 =	simm.s32 $0xBA00  }
0x11: {  	v0 =	vmul.u32 $0x1A, v0;
	s7 =	simm.s32 $0xCA00;
	[dreg:$0x6] =	wrdreg s0;
	s0 =	simm.s32 $0xA200  }
.LBB2_1:
0x12: {  	s21 =	rddreg [dreg:$0x3]  }
0x13: {  	[tilespmem:s2], [sflag:$0x3] =	stream.linear.gather [hbm4b:s21+s2], $0xD00, $0x38;
	[tilespmem:$0xEA80] =	vst v63  }
0x14: {  	_ =	swait.ge [sflag:s10], $0xD00  }
0x15: {  	[sflag:s10] =	ssyncset.done $0x0  }
0x16: {  	s23 =	simm.s32 $0xD00;
	s21 =	rddreg [dreg:$0x4];
	[sflag:s10] =	ssyncadd.s32 $0xFFFFF300  }
0x17: {  	[tilespmem:s23], [sflag:$0x3] =	stream.linear.gather [hbm4b:s21+s2], $0xD00, $0x38;
	[tilespmem:$0xEA80] =	vst v63  }
0x18: {  	_ =	swait.ge [sflag:s10], $0xD00  }
0x19: {  	[sflag:s10] =	ssyncset.done $0x0  }
0x1a: {  	[sflag:s10] =	ssyncadd.s32 $0xFFFFF300  }
0x1b: {  	[tilespmem:s13], [sflag:$0x2] =	stream.indirect.gather [hbm4b:s4+s12], $0x10, s23, s12, $0xb8;
	[tilespmem:$0xEA80] =	vst v63  }
0x1c: {  	s23 =	simm.s32 $0xD80  }
0x1d: {  	[tilespmem:s25], [sflag:$0x2] =	stream.indirect.gather [hbm4b:s4+s12], $0x10, s23, s12, $0xb8;
	[tilespmem:$0xEA80] =	vst v63  }
0x1e: {  	s25 =	simm.s32 $0xE00  }
0x1f: {  	[tilespmem:s28], [sflag:$0x2] =	stream.indirect.gather [hbm4b:s4+s12], $0x10, s25, s12, $0xb8;
	[tilespmem:$0xEA80] =	vst v63  }
0x20: {  	s30 =	simm.s32 $0x3200;
	s23 =	simm.s32 $0xE80  }
0x21: {  	[tilespmem:s30], [sflag:$0x2] =	stream.indirect.gather [hbm4b:s4+s12], $0x10, s23, s12, $0xb8;
	[tilespmem:$0xEA80] =	vst v63  }
0x22: {  	s25 =	simm.s32 $0xF00;
	s30 =	simm.s32 $0x3A00  }
0x23: {  	[tilespmem:s30], [sflag:$0x2] =	stream.indirect.gather [hbm4b:s4+s12], $0x10, s25, s12, $0xb8;
	[tilespmem:$0xEA80] =	vst v63  }
0x24: {  	s1 =	simm.s32 $0x4200;
	s28 =	simm.s32 $0xF80  }
0x25: {  	[tilespmem:s1], [sflag:$0x2] =	stream.indirect.gather [hbm4b:s4+s12], $0x10, s28, s12, $0xb8;
	[tilespmem:$0xEA80] =	vst v63  }
0x26: {  	s14 =	simm.s32 $0x4A00;
	s21 =	simm.s32 $0x1000  }
0x27: {  	[tilespmem:s14], [sflag:$0x2] =	stream.indirect.gather [hbm4b:s4+s12], $0x10, s21, s12, $0xb8;
	[tilespmem:$0xEA80] =	vst v63  }
0x28: {  	s23 =	simm.s32 $0x1080;
	s14 =	simm.s32 $0x5200  }
0x29: {  	[tilespmem:s14], [sflag:$0x2] =	stream.indirect.gather [hbm4b:s4+s12], $0x10, s23, s12, $0xb8;
	[tilespmem:$0xEA80] =	vst v63  }
0x2a: {  	s18 =	simm.s32 $0x5A00;
	s25 =	simm.s32 $0x1100  }
0x2b: {  	[tilespmem:s18], [sflag:$0x2] =	stream.indirect.gather [hbm4b:s4+s12], $0x10, s25, s12, $0xb8;
	[tilespmem:$0xEA80] =	vst v63  }
0x2c: {  	s28 =	simm.s32 $0x1180;
	s18 =	simm.s32 $0x6200  }
0x2d: {  	[tilespmem:s18], [sflag:$0x2] =	stream.indirect.gather [hbm4b:s4+s12], $0x10, s28, s12, $0xb8;
	[tilespmem:$0xEA80] =	vst v63  }
0x2e: {  	s22 =	simm.s32 $0x6A00;
	s21 =	simm.s32 $0x1200  }
0x2f: {  	[tilespmem:s22], [sflag:$0x2] =	stream.indirect.gather [hbm4b:s4+s12], $0x10, s21, s12, $0xb8;
	[tilespmem:$0xEA80] =	vst v63  }
0x30: {  	s23 =	simm.s32 $0x1280;
	s22 =	simm.s32 $0x7200  }
0x31: {  	[tilespmem:s22], [sflag:$0x2] =	stream.indirect.gather [hbm4b:s4+s12], $0x10, s23, s12, $0xb8;
	[tilespmem:$0xEA80] =	vst v63  }
0x32: {  	s26 =	simm.s32 $0x7A00;
	s25 =	simm.s32 $0x1300  }
0x33: {  	[tilespmem:s26], [sflag:$0x2] =	stream.indirect.gather [hbm4b:s4+s12], $0x10, s25, s12, $0xb8;
	[tilespmem:$0xEA80] =	vst v63  }
0x34: {  	s28 =	simm.s32 $0x1380;
	s26 =	simm.s32 $0x8200  }
0x35: {  	[tilespmem:s26], [sflag:$0x2] =	stream.indirect.gather [hbm4b:s4+s12], $0x10, s28, s12, $0xb8;
	[tilespmem:$0xEA80] =	vst v63  }
0x36: {  	s21 =	simm.s32 $0x1400  }
0x37: {  	[tilespmem:s31], [sflag:$0x2] =	stream.indirect.gather [hbm4b:s4+s12], $0x10, s21, s12, $0xb8;
	[tilespmem:$0xEA80] =	vst v63  }
0x38: {  	s23 =	simm.s32 $0x1480  }
0x39: {  	[tilespmem:s16], [sflag:$0x2] =	stream.indirect.gather [hbm4b:s4+s12], $0x10, s23, s12, $0xb8;
	[tilespmem:$0xEA80] =	vst v63  }
0x3a: {  	s25 =	simm.s32 $0x1500  }
0x3b: {  	[tilespmem:s24], [sflag:$0x2] =	stream.indirect.gather [hbm4b:s4+s12], $0x10, s25, s12, $0xb8;
	[tilespmem:$0xEA80] =	vst v63  }
0x3c: {  	s28 =	simm.s32 $0x1580  }
0x3d: {  	[tilespmem:s0], [sflag:$0x2] =	stream.indirect.gather [hbm4b:s4+s12], $0x10, s28, s12, $0xb8;
	[tilespmem:$0xEA80] =	vst v63  }
0x3e: {  	s21 =	simm.s32 $0x1600  }
0x3f: {  	[tilespmem:s29], [sflag:$0x2] =	stream.indirect.gather [hbm4b:s4+s12], $0x10, s21, s12, $0xb8;
	[tilespmem:$0xEA80] =	vst v63  }
0x40: {  	s23 =	simm.s32 $0x1680  }
0x41: {  	[tilespmem:s20], [sflag:$0x2] =	stream.indirect.gather [hbm4b:s4+s12], $0x10, s23, s12, $0xb8;
	[tilespmem:$0xEA80] =	vst v63  }
0x42: {  	s25 =	simm.s32 $0x1700  }
0x43: {  	[tilespmem:s5], [sflag:$0x2] =	stream.indirect.gather [hbm4b:s4+s12], $0x10, s25, s12, $0xb8;
	[tilespmem:$0xEA80] =	vst v63  }
0x44: {  	s28 =	simm.s32 $0x1780  }
0x45: {  	[tilespmem:s6], [sflag:$0x2] =	stream.indirect.gather [hbm4b:s4+s12], $0x10, s28, s12, $0xb8;
	[tilespmem:$0xEA80] =	vst v63  }
0x46: {  	s21 =	simm.s32 $0x1800  }
0x47: {  	[tilespmem:s7], [sflag:$0x2] =	stream.indirect.gather [hbm4b:s4+s12], $0x10, s21, s12, $0xb8;
	[tilespmem:$0xEA80] =	vst v63  }
0x48: {  	s23 =	simm.s32 $0x1880  }
0x49: {  	[tilespmem:s11], [sflag:$0x2] =	stream.indirect.gather [hbm4b:s4+s12], $0x10, s23, s12, $0xb8;
	[tilespmem:$0xEA80] =	vst v63  }
0x4a: {  	s25 =	simm.s32 $0x1900  }
0x4b: {  	[tilespmem:s8], [sflag:$0x2] =	stream.indirect.gather [hbm4b:s4+s12], $0x10, s25, s12, $0xb8;
	[tilespmem:$0xEA80] =	vst v63  }
0x4c: {  	s28 =	simm.s32 $0x1980  }
0x4d: {  	[tilespmem:s9], [sflag:$0x2] =	stream.indirect.gather [hbm4b:s4+s12], $0x10, s28, s12, $0xb8;
	[tilespmem:$0xEA80] =	vst v63  }
0x4e: {  	_ =	swait.ge [sflag:s15], $0xD000  }
0x4f: {  	[sflag:s15] =	ssyncset.done $0x0  }
0x50: {  	s21 =	simm.s32 $0x0;
	[sflag:s15] =	ssyncadd.s32 $0xFFFF3000  }
.LBB2_2:
0x51: {  	s23 =	smul.u32 $0x1A0, s21;
	_ =	sdelay $0x1  }
0x52: {  	s25 =	sadd.s32 $0x0, s23  }
0x53: {  	v1 =	vadd.s32 s25, v0;
	_ =	sdelay $0x3  }
0x54: {  	s28 =	sadd.s32 $0x1, s23  }
0x55: {  	v3 =	vadd.s32 s28, v0;
	v4 =	vld.idx.msk [tilespmem:v1+s2+$0x0], $0xffff;
	_ =	sdelay $0x3  }
0x56: {  	s1 =	sadd.s32 $0x2, s23  }
0x57: {  	v2 =	vadd.s32 s1, v0;
	v5 =	vld.idx.msk [tilespmem:v3+s2+$0x0], $0xffff;
	v1 =	vshll.u32 v1, $0x4;
	v4 =	vand.u32 $0xF, v4  }
0x58: {  	v6 =	vor.u32 v1, v4;
	_ =	sdelay $0x3  }
0x59: {  	s28 =	sadd.s32 $0x3, s23;
	v7 =	vshll.u32 v3, $0x4;
	v8 =	vand.u32 $0xF, v5;
	v4 =	vld.idx.msk [tilespmem:v2+s2+$0x0], $0xffff  }
0x5a: {  	s25 =	simm.s32 $0x4;
	v5 =	vadd.s32 s28, v0;
	v1 =	vimm.f32 $0.0e+00;
	v3 =	vld.idx.msk [tilespmem:v6+s13+$0x0], $0xffff;
	v6 =	vor.u32 v7, v8  }
.LBB2_3:
0x5b: {  	p0 =	sne.s32 s25, $0x19  }
.Ltmp0:
0x5c: {  	_ = 	snop;
	(pc) =	sbr.rel @p0 .LBB2_3-.Ltmp0, $4  }
0x5d: {  	_ = 	snop  }
0x5e: {  	s28 =	sadd.s32 s23, s25;
	v8 =	vmov v4  }
0x5f: {  	v9 =	vshll.u32 v2, $0x4;
	v7 =	vadd.s32 s28, v0;
	v4 =	vld.idx.msk [tilespmem:v5+s2+$0x0], $0xffff;
	v8 =	vand.u32 $0xF, v8  }
0x60: {  	s25 =	sadd.s32 $0x1, s25;
	v2 =	vmovc v5;
	v1 =	vadd.f32 v3, v1;
	v3 =	vld.idx.msk [tilespmem:v6+s13+$0x0], $0xffff;
	v5 =	vmov v7;
	v6 =	vor.u32 v9, v8  }
0x61: {  	_ =	sdelay $0x3  }
0x62: {  	v7 =	vld.idx.msk [tilespmem:v5+s2+$0x0], $0xffff;
	_ =	sdelay $0x2  }
0x63: {  	v2 =	vshll.u32 v2, $0x4;
	v4 =	vand.u32 $0xF, v4  }
0x64: {  	v2 =	vor.u32 v2, v4  }
0x65: {  	v61 =	vshll.u32 v5, $0x4;
	v62 =	vand.u32 $0xF, v7  }
0x66: {  	v4 =	vor.u32 v61, v62  }
0x67: {  	v63 =	vld.idx.msk [tilespmem:v6+s13+$0x0], $0xffff;
	_ =	sdelay $0x1  }
0x68: {  	v2 =	vld.idx.msk [tilespmem:v2+s13+$0x0], $0xffff  }
0x69: {  	v1 =	vadd.f32 v3, v1  }
0x6a: {  	v3 =	vld.idx.msk [tilespmem:v4+s13+$0x0], $0xffff  }
0x6b: {  	s23 =	sshll.u32 s21, $0x4;
	s21 =	sadd.s32 $0x1, s21;
	v1 =	vadd.f32 v63, v1  }
0x6c: {  	p0 =	sne.s32 s21, $0x8  }
.Ltmp1:
0x6d: {  	v1 =	vadd.f32 v2, v1;
	(pc) =	sbr.rel @p0 .LBB2_2-.Ltmp1, $4  }
0x6e: {  	_ = 	snop  }
0x6f: {  	v1 =	vadd.f32 v3, v1  }
0x70: {  	s23 =	sand.u32 $0x3FFFFFF0, s23  }
0x71: {  	[tilespmem:s23+$0xEA00] =	vst v1  }
0x72: {  	[tilespmem:s13], [sflag:$0x1] =	stream.indirect.gather [hbm4b:s3+s12], $0x10, s2, s12, $0xb8;
	[tilespmem:$0xEA80] =	vst v63  }
0x73: {  	s25 =	simm.s32 $0x2200  }
0x74: {  	[tilespmem:s25], [sflag:$0x1] =	stream.indirect.gather [hbm4b:s3+s12], $0x10, s12, s12, $0xb8;
	[tilespmem:$0xEA80] =	vst v63  }
0x75: {  	s28 =	simm.s32 $0x2A00;
	s1 =	simm.s32 $0x100  }
0x76: {  	[tilespmem:s28], [sflag:$0x1] =	stream.indirect.gather [hbm4b:s3+s12], $0x10, s1, s12, $0xb8;
	[tilespmem:$0xEA80] =	vst v63  }
0x77: {  	s21 =	simm.s32 $0x3200;
	s23 =	simm.s32 $0x180  }
0x78: {  	[tilespmem:s21], [sflag:$0x1] =	stream.indirect.gather [hbm4b:s3+s12], $0x10, s23, s12, $0xb8;
	[tilespmem:$0xEA80] =	vst v63  }
0x79: {  	s21 =	simm.s32 $0x200  }
0x7a: {  	[tilespmem:s30], [sflag:$0x1] =	stream.indirect.gather [hbm4b:s3+s12], $0x10, s21, s12, $0xb8;
	[tilespmem:$0xEA80] =	vst v63  }
0x7b: {  	s23 =	simm.s32 $0x4200;
	s30 =	simm.s32 $0x280  }
0x7c: {  	[tilespmem:s23], [sflag:$0x1] =	stream.indirect.gather [hbm4b:s3+s12], $0x10, s30, s12, $0xb8;
	[tilespmem:$0xEA80] =	vst v63  }
0x7d: {  	s23 =	simm.s32 $0x4A00;
	s30 =	simm.s32 $0x300  }
0x7e: {  	[tilespmem:s23], [sflag:$0x1] =	stream.indirect.gather [hbm4b:s3+s12], $0x10, s30, s12, $0xb8;
	[tilespmem:$0xEA80] =	vst v63  }
0x7f: {  	s21 =	simm.s32 $0x380  }
0x80: {  	[tilespmem:s14], [sflag:$0x1] =	stream.indirect.gather [hbm4b:s3+s12], $0x10, s21, s12, $0xb8;
	[tilespmem:$0xEA80] =	vst v63  }
0x81: {  	s23 =	simm.s32 $0x5A00;
	s30 =	simm.s32 $0x400  }
0x82: {  	[tilespmem:s23], [sflag:$0x1] =	stream.indirect.gather [hbm4b:s3+s12], $0x10, s30, s12, $0xb8;
	[tilespmem:$0xEA80] =	vst v63  }
0x83: {  	s21 =	simm.s32 $0x480  }
0x84: {  	[tilespmem:s18], [sflag:$0x1] =	stream.indirect.gather [hbm4b:s3+s12], $0x10, s21, s12, $0xb8;
	[tilespmem:$0xEA80] =	vst v63  }
0x85: {  	s23 =	simm.s32 $0x6A00;
	s30 =	simm.s32 $0x500  }
0x86: {  	[tilespmem:s23], [sflag:$0x1] =	stream.indirect.gather [hbm4b:s3+s12], $0x10, s30, s12, $0xb8;
	[tilespmem:$0xEA80] =	vst v63  }
0x87: {  	s18 =	simm.s32 $0x580  }
0x88: {  	[tilespmem:s22], [sflag:$0x1] =	stream.indirect.gather [hbm4b:s3+s12], $0x10, s18, s12, $0xb8;
	[tilespmem:$0xEA80] =	vst v63  }
0x89: {  	s21 =	simm.s32 $0x7A00;
	s22 =	simm.s32 $0x600  }
0x8a: {  	[tilespmem:s21], [sflag:$0x1] =	stream.indirect.gather [hbm4b:s3+s12], $0x10, s22, s12, $0xb8;
	[tilespmem:$0xEA80] =	vst v63  }
0x8b: {  	s23 =	simm.s32 $0x680  }
0x8c: {  	[tilespmem:s26], [sflag:$0x1] =	stream.indirect.gather [hbm4b:s3+s12], $0x10, s23, s12, $0xb8;
	[tilespmem:$0xEA80] =	vst v63  }
0x8d: {  	s26 =	simm.s32 $0x700  }
0x8e: {  	[tilespmem:s31], [sflag:$0x1] =	stream.indirect.gather [hbm4b:s3+s12], $0x10, s26, s12, $0xb8;
	[tilespmem:$0xEA80] =	vst v63  }
0x8f: {  	s30 =	simm.s32 $0x780  }
0x90: {  	[tilespmem:s16], [sflag:$0x1] =	stream.indirect.gather [hbm4b:s3+s12], $0x10, s30, s12, $0xb8;
	[tilespmem:$0xEA80] =	vst v63  }
0x91: {  	s14 =	simm.s32 $0x800  }
0x92: {  	[tilespmem:s24], [sflag:$0x1] =	stream.indirect.gather [hbm4b:s3+s12], $0x10, s14, s12, $0xb8;
	[tilespmem:$0xEA80] =	vst v63  }
0x93: {  	s18 =	simm.s32 $0x880  }
0x94: {  	[tilespmem:s0], [sflag:$0x1] =	stream.indirect.gather [hbm4b:s3+s12], $0x10, s18, s12, $0xb8;
	[tilespmem:$0xEA80] =	vst v63  }
0x95: {  	s21 =	simm.s32 $0x900  }
0x96: {  	[tilespmem:s29], [sflag:$0x1] =	stream.indirect.gather [hbm4b:s3+s12], $0x10, s21, s12, $0xb8;
	[tilespmem:$0xEA80] =	vst v63  }
0x97: {  	s22 =	simm.s32 $0x980  }
0x98: {  	[tilespmem:s20], [sflag:$0x1] =	stream.indirect.gather [hbm4b:s3+s12], $0x10, s22, s12, $0xb8;
	[tilespmem:$0xEA80] =	vst v63  }
0x99: {  	s23 =	simm.s32 $0xA00  }
0x9a: {  	[tilespmem:s5], [sflag:$0x1] =	stream.indirect.gather [hbm4b:s3+s12], $0x10, s23, s12, $0xb8;
	[tilespmem:$0xEA80] =	vst v63  }
0x9b: {  	s26 =	simm.s32 $0xA80  }
0x9c: {  	[tilespmem:s6], [sflag:$0x1] =	stream.indirect.gather [hbm4b:s3+s12], $0x10, s26, s12, $0xb8;
	[tilespmem:$0xEA80] =	vst v63  }
0x9d: {  	s30 =	simm.s32 $0xB00  }
0x9e: {  	[tilespmem:s7], [sflag:$0x1] =	stream.indirect.gather [hbm4b:s3+s12], $0x10, s30, s12, $0xb8;
	[tilespmem:$0xEA80] =	vst v63  }
0x9f: {  	s14 =	simm.s32 $0xB80  }
0xa0: {  	[tilespmem:s11], [sflag:$0x1] =	stream.indirect.gather [hbm4b:s3+s12], $0x10, s14, s12, $0xb8;
	[tilespmem:$0xEA80] =	vst v63  }
0xa1: {  	s18 =	simm.s32 $0xC00  }
0xa2: {  	[tilespmem:s8], [sflag:$0x1] =	stream.indirect.gather [hbm4b:s3+s12], $0x10, s18, s12, $0xb8;
	[tilespmem:$0xEA80] =	vst v63  }
0xa3: {  	s21 =	simm.s32 $0xC80  }
0xa4: {  	[tilespmem:s9], [sflag:$0x1] =	stream.indirect.gather [hbm4b:s3+s12], $0x10, s21, s12, $0xb8;
	[tilespmem:$0xEA80] =	vst v63  }
0xa5: {  	_ =	swait.ge [sflag:s17], $0xD000  }
0xa6: {  	[sflag:s17] =	ssyncset.done $0x0  }
0xa7: {  	s22 =	rddreg [dreg:$0x5];
	[sflag:s17] =	ssyncadd.s32 $0xFFFF3000  }
0xa8: {  	[hbm4b:s22+s2] =	stream.linear.scatter [tilespmem:s13], [sflag:$0x3], $0xD000, $0x38;
	[tilespmem:$0xEA80] =	vst v63  }
0xa9: {  	_ =	swait.ge [sflag:s10], $0xD000  }
0xaa: {  	[sflag:s10] =	ssyncset.done $0x0  }
0xab: {  	s26 =	simm.s32 $0xEA00;
	s23 =	rddreg [dreg:$0x6];
	[sflag:s10] =	ssyncadd.s32 $0xFFFF3000  }
0xac: {  	[hbm4b:s23+s2] =	stream.linear.scatter [tilespmem:s26], [sflag:$0x3], $0x80, $0x38;
	[tilespmem:$0xEA80] =	vst v63  }
0xad: {  	_ =	swait.ge [sflag:s10], $0x80  }
0xae: {  	s19 =	sadd.s32 $0x1, s19;
	s30 =	rddreg [dreg:$0x7]  }
0xaf: {  	p0 =	sne.s32 s19, s30  }
.Ltmp2:
0xb0: {  	_ = 	snop;
	(pc) =	sbr.rel @p0 .LBB2_1-.Ltmp2, $3  }
0xb1: {  	_ =	sdelay $0x1  }
0xb2: {  	[sflag:s10] =	ssyncset.done $0x0  }
0xb3: {  	[sflag:s10] =	ssyncadd.s32 $0xFFFFFF80  }
0xb4: {  	_ =	sfence.sel $0x180000  }
0xb5: {  	[bflag:$0x0] =	sbarrier.arrive $0xFFFF  }
0xb6: {  	_ =	strace $0x90000047  }
0xb7: {  	s0 =	stileid.u32;
	[bflag:$0x2] =	sbarrier.arrive $0xFFFF  }
0xb8: {  	p0 =	sne.s32 s0, $0x0;
	s0 =	rddreg [dreg:$0x2]  }
0xb9: {  	s0 =	sadd.s32 @!p0 $0x100000, s0  }
0xba: {  	[sflag:s0] =	ssyncadd.tile.s32 @!p0 $0x1;
	_ =	shalt  }
.Lfunc_end2:
_tile_overlayer_lowered:
.L_overlay_start_2:
0xbb: {  	(tag) =	ssettag $0x2  }
0xbc: {  	s0 =	rddreg [dreg:$0x0];
	s2 =	stileid.u32  }
0xbd: {  	s1 =	rddreg [dreg:$0x1];
	p0 =	sne.s32 s2, $0x0  }
0xbe: {  	s3 =	rddreg [dreg:$0x2];
	[bflag:$0x3] =	sbarrier.arrive $0xFFFF;
	s2 =	simm.s32 @!p0 $0x1C03  }
0xbf: {  	[timem:s3], [sflag:s2] =	dma.local @!p0 [hbm:s0], s1  }
0xc0: {  	s0 =	simm.s32 @!p0 $0x3  }
0xc1: {  	_ =	swait.ge @!p0 [sflag:s0], s1  }
0xc2: {  	s1 =	ssub.s32 @!p0 $0x0, s1;
	[sflag:s0] =	ssyncset.done @!p0 $0x0  }
0xc3: {  	[sflag:s0] =	ssyncadd.s32 @!p0 s1  }
0xc4: {  	[bflag:$0x3] =	sbarrier.arrive $0xFFFF  }
0xc5: {  	_ =	shalt  }

</sc_bundles>
